<compile_context>
chip_gen: v7x
topology: tpu7x:2x2x1
jax: 0.10.2.dev20260603
libtpu: 0.0.44.dev20260713+nightly
codegen_flags: <defaults>
</compile_context>

<pallas_src>
import functools

import numpy as np
import jax
import jax.numpy as jnp
from jax import lax
from jax.experimental import pallas as pl
from jax.experimental.pallas import tpu as pltpu
from jax.experimental.pallas import tpu_sc as plsc



def _bucket_maps():
    j = np.arange(8192, dtype=np.uint32)
    rep = ((j << 19) | (1 << 18)).view(np.float32)
    x16 = rep.astype(np.float16)
    x32 = x16.astype(np.float32)
    sign = (x32 < 0).astype(np.int64)
    a = np.abs(x32)
    is_zero = a == 0
    is_inf = np.isinf(x32)
    normal = ~(is_zero | is_inf)
    safe = np.where(normal, a, 1.0)
    with np.errstate(divide="ignore"):
        e = np.clip(np.floor(np.log2(safe)), -14.0, 15.0)
    m = np.clip(np.round((safe / np.exp2(e) - 1.0) * 1024.0), 0.0, 1023.0)
    exp = np.where(normal, e.astype(np.int64), np.where(is_zero, -15, 16))
    mant = np.where(normal, m.astype(np.int64), 0)
    level = np.clip(exp + 16, 0, 31)
    mant_idx = (mant >> 6) & 15
    return sign, level, mant_idx


_SIGN, _LEVEL, _MANT = _bucket_maps()
_FLAT = (_SIGN * 512 + _LEVEL * 16 + _MANT).astype(np.int32)


_NC, _NS, _L = 2, 16, 16
_NW = _NC * _NS
_D0, _D1, _D2 = 2, 4096, 2048
_TOTAL = _D0 * _D1 * _D2
_PER_W = _TOTAL // _NW
_CROWS = 8
_CHUNK = _CROWS * _D2
_NCHUNK = _PER_W // _CHUNK
_NVEC = _CHUNK // _L
_UNROLL = 16
_VPR = _D2 // _L
_GPR = _VPR // _UNROLL


def _compute_chunk(tab_v, in_v, out_v):
    def vec_group(g, carry):
        row = g // _GPR
        col0 = (g % _GPR) * (_UNROLL * _L)
        offs = [col0 + u * _L for u in range(_UNROLL)]
        xs = [in_v[row, pl.ds(off, _L)] for off in offs]
        idxs = [lax.shift_right_logical(lax.bitcast_convert_type(x, jnp.int32), 19)
                for x in xs]
        kbs = [plsc.load_gather(tab_v, [idx]) for idx in idxs]
        res = []
        for x, kb in zip(xs, kbs):
            k = lax.bitcast_convert_type(kb & jnp.int32(-65536), jnp.float32)
            b = lax.bitcast_convert_type(kb << 16, jnp.float32)
            res.append(k * x + b)
        for off, r in zip(offs, res):
            out_v[row, pl.ds(off, _L)] = r
        return carry

    lax.fori_loop(0, _NVEC // _UNROLL, vec_group, 0)


def _build_table(flat_v, kb_v, tab_v):
    def grp(g, carry):
        offs = [(g * 8 + u) * _L for u in range(8)]
        idxs = [flat_v[pl.ds(off, _L)] for off in offs]
        kbs = [plsc.load_gather(kb_v, [idx]) for idx in idxs]
        for off, kb in zip(offs, kbs):
            tab_v[pl.ds(off, _L)] = kb
        return carry

    lax.fori_loop(0, 8192 // _L // 8, grp, 0)


def _tec_body(x_hbm, kb_hbm, flat_hbm, out_hbm, tab_v, kb_v, flat_v,
              in0, in1, out0, out1, sin0, sin1, sout0, sout1):
    wid = lax.axis_index("s") * _NC + lax.axis_index("c")
    d0 = wid // (_NW // _D0)
    row_base = (wid % (_NW // _D0)) * (_PER_W // _D2)
    pltpu.sync_copy(kb_hbm, kb_v)
    pltpu.sync_copy(flat_hbm, flat_v)
    _build_table(flat_v, kb_v, tab_v)
    ins, outs = (in0, in1), (out0, out1)
    sins, souts = (sin0, sin1), (sout0, sout1)

    def in_slice(c):
        return x_hbm.at[d0, pl.ds(row_base + c * _CROWS, _CROWS), :]

    def out_slice(c):
        return out_hbm.at[d0, pl.ds(row_base + c * _CROWS, _CROWS), :]

    pltpu.async_copy(in_slice(0), in0, sin0)

    def super_body(g, carry):
        for p in range(2):
            c = g * 2 + p

            @pl.when(c + 1 < _NCHUNK)
            def _start_next_in():
                pltpu.async_copy(in_slice(c + 1), ins[1 - p], sins[1 - p])

            pltpu.make_async_copy(in_slice(c), ins[p], sins[p]).wait()
            @pl.when(c >= 2)
            def _drain_prev_out():
                pltpu.make_async_copy(outs[p], out_slice(c - 2),
                                      souts[p]).wait()

            pass
            pltpu.async_copy(outs[p], out_slice(c), souts[p])
        return carry

    lax.fori_loop(0, _NCHUNK // 2, super_body, 0)
    for p in range(2):
        c = _NCHUNK - 2 + p
        pltpu.make_async_copy(outs[p], out_slice(c), souts[p]).wait()


@functools.cache
def _lut_silu_sc():
    return pl.kernel(
        _tec_body,
        out_type=jax.ShapeDtypeStruct((_D0, _D1, _D2), jnp.float32),
        mesh=plsc.VectorSubcoreMesh(core_axis_name="c", subcore_axis_name="s"),
        compiler_params=pltpu.CompilerParams(needs_layout_passes=False),
        scratch_types=[
            pltpu.VMEM((8192,), jnp.int32),
            pltpu.VMEM((1024,), jnp.int32),
            pltpu.VMEM((8192,), jnp.int32),
            pltpu.VMEM((_CROWS, _D2), jnp.float32),
            pltpu.VMEM((_CROWS, _D2), jnp.float32),
            pltpu.VMEM((_CROWS, _D2), jnp.float32),
            pltpu.VMEM((_CROWS, _D2), jnp.float32),
            pltpu.SemaphoreType.DMA,
            pltpu.SemaphoreType.DMA,
            pltpu.SemaphoreType.DMA,
            pltpu.SemaphoreType.DMA,
        ],
    )


def kernel(input, k_table, b_table):
    k_bits = lax.bitcast_convert_type(
        k_table.reshape(-1).astype(jnp.bfloat16), jnp.uint16).astype(jnp.uint32)
    b_bits = lax.bitcast_convert_type(
        b_table.reshape(-1).astype(jnp.bfloat16), jnp.uint16).astype(jnp.uint32)
    packed = ((k_bits << 16) | b_bits).astype(jnp.int32)
    return _lut_silu_sc()(input, packed, jnp.asarray(_FLAT))

# --- scband reference (transcript-rebuilt; emitter-appended) ---
"""Pipeline reference for scband-lut-silu-kb-18863496364228 (READ-ONLY COPY).

The authoritative reference and input builder live on the scoring server;
editing this copy changes nothing except your own understanding.
"""

import jax, jax.numpy as jnp
import numpy as np

EXP_BIT = 5
MANT_BIT = 4
EXP_OFFSET = 16
LEVELS = 2 ** EXP_BIT
ENTRIES = 2 ** MANT_BIT


def _silu16(x):
    x16 = np.float16(x)
    x32 = np.float32(x16)
    return np.float16(x32 / (1.0 + np.exp(-x32)))


def _gen_tables():
    f16 = np.float16
    lut = np.zeros((2, LEVELS, ENTRIES), dtype=f16)
    lut_x = np.zeros((2, LEVELS, ENTRIES), dtype=f16)
    for sign in (0, 1):
        for level in range(LEVELS):
            base = 2.0 ** (level - EXP_OFFSET)
            for i in range(ENTRIES):
                frac = i / ENTRIES
                x_val = (1 - 2 * sign) * base * (1.0 + frac)
                lut[sign, level, i] = _silu16(x_val)
                lut_x[sign, level, i] = f16(x_val)
    lut_k = np.zeros((2, LEVELS, ENTRIES), dtype=f16)
    lut_b = np.zeros((2, LEVELS, ENTRIES), dtype=f16)
    # intra-level segments (f16 arithmetic preserved by numpy)
    k_inner = (lut[:, :, 1:] - lut[:, :, :-1]) / (lut_x[:, :, 1:] - lut_x[:, :, :-1])
    lut_k[:, :, :-1] = k_inner
    lut_b[:, :, :-1] = lut[:, :, :-1] - lut_x[:, :, :-1] * k_inner
    # cross-level boundary segments
    kb = (lut[:, 1:, 0] - lut[:, :-1, -1]) / (lut_x[:, 1:, 0] - lut_x[:, :-1, -1])
    lut_k[:, :-1, -1] = kb
    lut_b[:, :-1, -1] = lut[:, :-1, -1] - lut_x[:, :-1, -1] * kb
    # outermost segments toward +/- fp16 max
    r_max = f16(np.finfo(np.float16).max)
    l_min = f16(-np.finfo(np.float16).max)
    r_edge = _silu16(r_max)
    l_edge = _silu16(l_min)
    lut_k[0, -1, -1] = (r_edge - lut[0, -1, -1]) / (r_max - lut_x[0, -1, -1])
    lut_b[0, -1, -1] = r_edge - r_max * lut_k[0, -1, -1]
    lut_k[1, -1, -1] = (l_edge - lut[1, -1, -1]) / (l_min - lut_x[1, -1, -1])
    lut_b[1, -1, -1] = l_edge - l_min * lut_k[1, -1, -1]
    return lut_k, lut_b


def _extract_fp16_components(x16):
    x32 = x16.astype(jnp.float32)
    sign = (x32 < 0).astype(jnp.int32)
    a = jnp.abs(x32)
    is_zero = a == 0
    is_inf = jnp.isinf(x32)
    is_nan = jnp.isnan(x32)
    normal = ~(is_zero | is_inf | is_nan)
    safe = jnp.where(normal, a, 1.0)
    e = jnp.clip(jnp.floor(jnp.log2(safe)), -14.0, 15.0)
    m = jnp.clip(jnp.round((safe / jnp.exp2(e) - 1.0) * 1024.0), 0.0, 1023.0)
    exp = jnp.where(normal, e.astype(jnp.int32), jnp.where(is_zero, -15, 16))
    mant = jnp.where(normal, m.astype(jnp.int32), 0)
    return sign, exp, mant


def setup_inputs(seed: int = 0) -> dict:
    key = jax.random.key(seed)
    x = jax.random.normal(key, (2, 4096, 2048), dtype=jnp.float32) * 3.0
    k_np, b_np = _gen_tables()
    return {"input": x, "k_table": jnp.asarray(k_np), "b_table": jnp.asarray(b_np)}


def reference(input, k_table, b_table):
    original_shape = input.shape
    x = input.reshape(-1)
    x16_ = x.astype(jnp.float16)
    bound = jnp.float16(2.0 ** (LEVELS - EXP_OFFSET))
    x16 = jnp.clip(x16_, -bound, bound)
    nan_mask = jnp.isnan(x16_)
    sign, exp_unbiased, mant = _extract_fp16_components(x16)
    lut_exp_idx = jnp.clip(exp_unbiased + EXP_OFFSET, 0, LEVELS - 1)
    mant_mask = (1 << MANT_BIT) - 1
    mant_idx = jnp.clip((mant >> (10 - MANT_BIT)) & mant_mask, 0, ENTRIES - 1)
    k = k_table[sign, lut_exp_idx, mant_idx]
    b = b_table[sign, lut_exp_idx, mant_idx]
    res = k * x16 + b
    res = jnp.where(nan_mask, jnp.float16(jnp.nan), res)
    return res.reshape(original_shape).astype(input.dtype)

if __name__ == "__main__":
    import jax
    _d = setup_inputs()
    print(jax.jit(kernel)(*tuple(_d.values())))

</pallas_src>

<mosaic_0001>
#map = affine_map<(d0, d1) -> (0, 0, 0)>
#map1 = affine_map<(d0, d1) -> (0)>
module attributes {stable_mosaic.version = 14 : i64} {
  func.func @_tec_body(%arg0: i32, %arg1: i32, %arg2: memref<2x4096x2048xf32, #tpu.memory_space<hbm>>, %arg3: memref<1024xi32, #tpu.memory_space<hbm>>, %arg4: memref<8192xi32, #tpu.memory_space<hbm>>, %arg5: memref<2x4096x2048xf32, #tpu.memory_space<hbm>>, %arg6: memref<8192xi32, #tpu.memory_space<vmem>>, %arg7: memref<1024xi32, #tpu.memory_space<vmem>>, %arg8: memref<8192xi32, #tpu.memory_space<vmem>>, %arg9: memref<8x2048xf32, #tpu.memory_space<vmem>>, %arg10: memref<8x2048xf32, #tpu.memory_space<vmem>>, %arg11: memref<8x2048xf32, #tpu.memory_space<vmem>>, %arg12: memref<8x2048xf32, #tpu.memory_space<vmem>>, %arg13: memref<!tpu.dma_semaphore, #tpu.memory_space<semaphore_mem>>, %arg14: memref<!tpu.dma_semaphore, #tpu.memory_space<semaphore_mem>>, %arg15: memref<!tpu.dma_semaphore, #tpu.memory_space<semaphore_mem>>, %arg16: memref<!tpu.dma_semaphore, #tpu.memory_space<semaphore_mem>>) attributes {dimension_semantics = [#tpu.dimension_semantics<core_parallel>, #tpu.dimension_semantics<subcore_parallel>], iteration_bounds = array<i64: 2, 16>, scalar_prefetch = 0 : i64, scratch_operands = 11 : i64, tpu.core_type = #tpu.core_type<sc_vector_subcore>, window_params = [{transform_indices = #map}, {transform_indices = #map1}, {transform_indices = #map1}, {transform_indices = #map}]} {
    %mul3A = arith.constant 2 : i32
    %mul3A_0 = arith.muli %arg1, %mul3A : i32
    %add3A = arith.addi %mul3A_0, %arg0 : i32
    %jit3A = arith.constant 16 : i32
    %div3A = arith.divsi %add3A, %jit3A : i32
    %sign3A = arith.constant 0 : i32
    %sign3A_1 = arith.cmpi sgt, %add3A, %sign3A : i32
    %sign3A_2 = arith.extui %sign3A_1 : i1 to i32
    %sign3A_3 = arith.constant 0 : i32
    %sign3A_4 = arith.cmpi slt, %add3A, %sign3A_3 : i32
    %sign3A_5 = arith.extui %sign3A_4 : i1 to i32
    %sign3A_6 = arith.subi %sign3A_2, %sign3A_5 : i32
    %sign3A_7 = arith.constant 0 : i32
    %sign3A_8 = arith.cmpi sgt, %jit3A, %sign3A_7 : i32
    %sign3A_9 = arith.extui %sign3A_8 : i1 to i32
    %sign3A_10 = arith.constant 0 : i32
    %sign3A_11 = arith.cmpi slt, %jit3A, %sign3A_10 : i32
    %sign3A_12 = arith.extui %sign3A_11 : i1 to i32
    %sign3A_13 = arith.subi %sign3A_9, %sign3A_12 : i32
    %ne3A = arith.cmpi ne, %sign3A_6, %sign3A_13 : i32
    %rem3A = arith.remsi %add3A, %jit3A : i32
    %ne3A_14 = arith.constant 0 : i32
    %ne3A_15 = arith.cmpi ne, %rem3A, %ne3A_14 : i32
    %and3A = arith.andi %ne3A, %ne3A_15 : i1
    %sub3A = arith.constant 1 : i32
    %sub3A_16 = arith.subi %div3A, %sub3A : i32
    %select_n3A = arith.select %and3A, %sub3A_16, %div3A : i32
    %jit3A_17 = arith.constant 16 : i32
    %eq3A = arith.constant 0 : i32
    %eq3A_18 = arith.cmpi eq, %jit3A_17, %eq3A : i32
    %jit3A_19 = arith.constant 1 : i32
    %select_n3A_20 = arith.select %eq3A_18, %jit3A_19, %jit3A_17 : i32
    %rem3A_21 = arith.remsi %add3A, %select_n3A_20 : i32
    %ne3A_22 = arith.constant 0 : i32
    %ne3A_23 = arith.cmpi ne, %rem3A_21, %ne3A_22 : i32
    %lt3A = arith.constant 0 : i32
    %lt3A_24 = arith.cmpi slt, %rem3A_21, %lt3A : i32
    %lt3A_25 = arith.constant 0 : i32
    %lt3A_26 = arith.cmpi slt, %select_n3A_20, %lt3A_25 : i32
    %ne3A_27 = arith.xori %lt3A_24, %lt3A_26 : i1
    %and3A_28 = arith.andi %ne3A_27, %ne3A_23 : i1
    %add3A_29 = arith.addi %rem3A_21, %select_n3A_20 : i32
    %select_n3A_30 = arith.select %and3A_28, %add3A_29, %rem3A_21 : i32
    %mul3A_31 = arith.constant 256 : i32
    %mul3A_32 = arith.muli %select_n3A_30, %mul3A_31 : i32
    "tpu.region"() ({
      %run_scoped3A = tpu.sem_alloc : memref<!tpu.dma_semaphore, #tpu.memory_space<semaphore_mem>>
      tpu.enqueue_dma source(%arg3 : memref<1024xi32, #tpu.memory_space<hbm>>) target(%arg7 : memref<1024xi32, #tpu.memory_space<vmem>>) target_semaphore(%run_scoped3A : memref<!tpu.dma_semaphore, #tpu.memory_space<semaphore_mem>>)
      tpu.wait_dma2 semaphore(%run_scoped3A : memref<!tpu.dma_semaphore, #tpu.memory_space<semaphore_mem>>) src(%arg3 : memref<1024xi32, #tpu.memory_space<hbm>>) dst(%arg7 : memref<1024xi32, #tpu.memory_space<vmem>>)
      tpu.yield
    }) : () -> ()
    "tpu.region"() ({
      %run_scoped3A = tpu.sem_alloc : memref<!tpu.dma_semaphore, #tpu.memory_space<semaphore_mem>>
      tpu.enqueue_dma source(%arg4 : memref<8192xi32, #tpu.memory_space<hbm>>) target(%arg8 : memref<8192xi32, #tpu.memory_space<vmem>>) target_semaphore(%run_scoped3A : memref<!tpu.dma_semaphore, #tpu.memory_space<semaphore_mem>>)
      tpu.wait_dma2 semaphore(%run_scoped3A : memref<!tpu.dma_semaphore, #tpu.memory_space<semaphore_mem>>) src(%arg4 : memref<8192xi32, #tpu.memory_space<hbm>>) dst(%arg8 : memref<8192xi32, #tpu.memory_space<vmem>>)
      tpu.yield
    }) : () -> ()
    %scan3A = arith.constant 0 : i32
    %scan3A_33 = arith.constant 0 : i32
    %scan3A_34 = arith.constant 64 : i32
    %scan3A_35 = arith.addi %scan3A_33, %scan3A_34 : i32
    %scan3A_36 = arith.constant 1 : i32
    scf.for %scan3A_66 = %scan3A_33 to %scan3A_35 step %scan3A_36  : i32 {
      %mul3A_67 = arith.constant 8 : i32
      %mul3A_68 = arith.muli %scan3A_66, %mul3A_67 : i32
      %add3A_69 = arith.constant 0 : i32
      %add3A_70 = arith.addi %mul3A_68, %add3A_69 : i32
      %mul3A_71 = arith.constant 16 : i32
      %mul3A_72 = arith.muli %add3A_70, %mul3A_71 : i32
      %mul3A_73 = arith.constant 8 : i32
      %mul3A_74 = arith.muli %scan3A_66, %mul3A_73 : i32
      %add3A_75 = arith.constant 1 : i32
      %add3A_76 = arith.addi %mul3A_74, %add3A_75 : i32
      %mul3A_77 = arith.constant 16 : i32
      %mul3A_78 = arith.muli %add3A_76, %mul3A_77 : i32
      %mul3A_79 = arith.constant 8 : i32
      %mul3A_80 = arith.muli %scan3A_66, %mul3A_79 : i32
      %add3A_81 = arith.constant 2 : i32
      %add3A_82 = arith.addi %mul3A_80, %add3A_81 : i32
      %mul3A_83 = arith.constant 16 : i32
      %mul3A_84 = arith.muli %add3A_82, %mul3A_83 : i32
      %mul3A_85 = arith.constant 8 : i32
      %mul3A_86 = arith.muli %scan3A_66, %mul3A_85 : i32
      %add3A_87 = arith.constant 3 : i32
      %add3A_88 = arith.addi %mul3A_86, %add3A_87 : i32
      %mul3A_89 = arith.constant 16 : i32
      %mul3A_90 = arith.muli %add3A_88, %mul3A_89 : i32
      %mul3A_91 = arith.constant 8 : i32
      %mul3A_92 = arith.muli %scan3A_66, %mul3A_91 : i32
      %add3A_93 = arith.constant 4 : i32
      %add3A_94 = arith.addi %mul3A_92, %add3A_93 : i32
      %mul3A_95 = arith.constant 16 : i32
      %mul3A_96 = arith.muli %add3A_94, %mul3A_95 : i32
      %mul3A_97 = arith.constant 8 : i32
      %mul3A_98 = arith.muli %scan3A_66, %mul3A_97 : i32
      %add3A_99 = arith.constant 5 : i32
      %add3A_100 = arith.addi %mul3A_98, %add3A_99 : i32
      %mul3A_101 = arith.constant 16 : i32
      %mul3A_102 = arith.muli %add3A_100, %mul3A_101 : i32
      %mul3A_103 = arith.constant 8 : i32
      %mul3A_104 = arith.muli %scan3A_66, %mul3A_103 : i32
      %add3A_105 = arith.constant 6 : i32
      %add3A_106 = arith.addi %mul3A_104, %add3A_105 : i32
      %mul3A_107 = arith.constant 16 : i32
      %mul3A_108 = arith.muli %add3A_106, %mul3A_107 : i32
      %mul3A_109 = arith.constant 8 : i32
      %mul3A_110 = arith.muli %scan3A_66, %mul3A_109 : i32
      %add3A_111 = arith.constant 7 : i32
      %add3A_112 = arith.addi %mul3A_110, %add3A_111 : i32
      %mul3A_113 = arith.constant 16 : i32
      %mul3A_114 = arith.muli %add3A_112, %mul3A_113 : i32
      %get3A = arith.index_cast %mul3A_72 : i32 to index
      %get3A_115 = tpu.vector_load %arg8[%get3A] {strides = array<i32>} : memref<8192xi32, #tpu.memory_space<vmem>>, vector<16xi32>,
      %get3A_116 = arith.index_cast %mul3A_78 : i32 to index
      %get3A_117 = tpu.vector_load %arg8[%get3A_116] {strides = array<i32>} : memref<8192xi32, #tpu.memory_space<vmem>>, vector<16xi32>,
      %get3A_118 = arith.index_cast %mul3A_84 : i32 to index
      %get3A_119 = tpu.vector_load %arg8[%get3A_118] {strides = array<i32>} : memref<8192xi32, #tpu.memory_space<vmem>>, vector<16xi32>,
      %get3A_120 = arith.index_cast %mul3A_90 : i32 to index
      %get3A_121 = tpu.vector_load %arg8[%get3A_120] {strides = array<i32>} : memref<8192xi32, #tpu.memory_space<vmem>>, vector<16xi32>,
      %get3A_122 = arith.index_cast %mul3A_96 : i32 to index
      %get3A_123 = tpu.vector_load %arg8[%get3A_122] {strides = array<i32>} : memref<8192xi32, #tpu.memory_space<vmem>>, vector<16xi32>,
      %get3A_124 = arith.index_cast %mul3A_102 : i32 to index
      %get3A_125 = tpu.vector_load %arg8[%get3A_124] {strides = array<i32>} : memref<8192xi32, #tpu.memory_space<vmem>>, vector<16xi32>,
      %get3A_126 = arith.index_cast %mul3A_108 : i32 to index
      %get3A_127 = tpu.vector_load %arg8[%get3A_126] {strides = array<i32>} : memref<8192xi32, #tpu.memory_space<vmem>>, vector<16xi32>,
      %get3A_128 = arith.index_cast %mul3A_114 : i32 to index
      %get3A_129 = tpu.vector_load %arg8[%get3A_128] {strides = array<i32>} : memref<8192xi32, #tpu.memory_space<vmem>>, vector<16xi32>,
      %gather3A = tpu.vector_load_idx %arg7[%get3A_115] : memref<1024xi32, #tpu.memory_space<vmem>>[vector<16xi32>], vector<16xi32>,
      %gather3A_130 = tpu.vector_load_idx %arg7[%get3A_117] : memref<1024xi32, #tpu.memory_space<vmem>>[vector<16xi32>], vector<16xi32>,
      %gather3A_131 = tpu.vector_load_idx %arg7[%get3A_119] : memref<1024xi32, #tpu.memory_space<vmem>>[vector<16xi32>], vector<16xi32>,
      %gather3A_132 = tpu.vector_load_idx %arg7[%get3A_121] : memref<1024xi32, #tpu.memory_space<vmem>>[vector<16xi32>], vector<16xi32>,
      %gather3A_133 = tpu.vector_load_idx %arg7[%get3A_123] : memref<1024xi32, #tpu.memory_space<vmem>>[vector<16xi32>], vector<16xi32>,
      %gather3A_134 = tpu.vector_load_idx %arg7[%get3A_125] : memref<1024xi32, #tpu.memory_space<vmem>>[vector<16xi32>], vector<16xi32>,
      %gather3A_135 = tpu.vector_load_idx %arg7[%get3A_127] : memref<1024xi32, #tpu.memory_space<vmem>>[vector<16xi32>], vector<16xi32>,
      %gather3A_136 = tpu.vector_load_idx %arg7[%get3A_129] : memref<1024xi32, #tpu.memory_space<vmem>>[vector<16xi32>], vector<16xi32>,
      %swap3A = arith.index_cast %mul3A_72 : i32 to index
      %swap3A_137 = tpu.vector_load %arg6[%swap3A] {strides = array<i32>} : memref<8192xi32, #tpu.memory_space<vmem>>, vector<16xi32>,
      tpu.vector_store %arg6[%swap3A], %gather3A {strides = array<i32>} : memref<8192xi32, #tpu.memory_space<vmem>>, vector<16xi32>,
      %swap3A_138 = arith.index_cast %mul3A_78 : i32 to index
      %swap3A_139 = tpu.vector_load %arg6[%swap3A_138] {strides = array<i32>} : memref<8192xi32, #tpu.memory_space<vmem>>, vector<16xi32>,
      tpu.vector_store %arg6[%swap3A_138], %gather3A_130 {strides = array<i32>} : memref<8192xi32, #tpu.memory_space<vmem>>, vector<16xi32>,
      %swap3A_140 = arith.index_cast %mul3A_84 : i32 to index
      %swap3A_141 = tpu.vector_load %arg6[%swap3A_140] {strides = array<i32>} : memref<8192xi32, #tpu.memory_space<vmem>>, vector<16xi32>,
      tpu.vector_store %arg6[%swap3A_140], %gather3A_131 {strides = array<i32>} : memref<8192xi32, #tpu.memory_space<vmem>>, vector<16xi32>,
      %swap3A_142 = arith.index_cast %mul3A_90 : i32 to index
      %swap3A_143 = tpu.vector_load %arg6[%swap3A_142] {strides = array<i32>} : memref<8192xi32, #tpu.memory_space<vmem>>, vector<16xi32>,
      tpu.vector_store %arg6[%swap3A_142], %gather3A_132 {strides = array<i32>} : memref<8192xi32, #tpu.memory_space<vmem>>, vector<16xi32>,
      %swap3A_144 = arith.index_cast %mul3A_96 : i32 to index
      %swap3A_145 = tpu.vector_load %arg6[%swap3A_144] {strides = array<i32>} : memref<8192xi32, #tpu.memory_space<vmem>>, vector<16xi32>,
      tpu.vector_store %arg6[%swap3A_144], %gather3A_133 {strides = array<i32>} : memref<8192xi32, #tpu.memory_space<vmem>>, vector<16xi32>,
      %swap3A_146 = arith.index_cast %mul3A_102 : i32 to index
      %swap3A_147 = tpu.vector_load %arg6[%swap3A_146] {strides = array<i32>} : memref<8192xi32, #tpu.memory_space<vmem>>, vector<16xi32>,
      tpu.vector_store %arg6[%swap3A_146], %gather3A_134 {strides = array<i32>} : memref<8192xi32, #tpu.memory_space<vmem>>, vector<16xi32>,
      %swap3A_148 = arith.index_cast %mul3A_108 : i32 to index
      %swap3A_149 = tpu.vector_load %arg6[%swap3A_148] {strides = array<i32>} : memref<8192xi32, #tpu.memory_space<vmem>>, vector<16xi32>,
      tpu.vector_store %arg6[%swap3A_148], %gather3A_135 {strides = array<i32>} : memref<8192xi32, #tpu.memory_space<vmem>>, vector<16xi32>,
      %swap3A_150 = arith.index_cast %mul3A_114 : i32 to index
      %swap3A_151 = tpu.vector_load %arg6[%swap3A_150] {strides = array<i32>} : memref<8192xi32, #tpu.memory_space<vmem>>, vector<16xi32>,
      tpu.vector_store %arg6[%swap3A_150], %gather3A_136 {strides = array<i32>} : memref<8192xi32, #tpu.memory_space<vmem>>, vector<16xi32>,
    }
    %scan3A_37 = arith.constant 64 : i32
    %add3A_38 = arith.constant 0 : i32
    %add3A_39 = arith.addi %mul3A_32, %add3A_38 : i32
    %dma_start3A = arith.constant 0 : i32
    %dma_start3A_40 = tpu.memref_slice %arg2[%select_n3A, %add3A_39, %dma_start3A] : memref<2x4096x2048xf32, #tpu.memory_space<hbm>> -> memref<1x8x2048xf32, #tpu.memory_space<hbm>>
    %dma_start3A_41 = tpu.memref_squeeze %dma_start3A_40 : memref<1x8x2048xf32, #tpu.memory_space<hbm>> -> memref<8x2048xf32, #tpu.memory_space<hbm>>
    %dma_start3A_42 = arith.constant 0 : i32
    %dma_start3A_43 = tpu.memref_slice %arg2[%select_n3A, %add3A_39, %dma_start3A_42] : memref<2x4096x2048xf32, #tpu.memory_space<hbm>> -> memref<1x8x2048xf32, #tpu.memory_space<hbm>>
    %dma_start3A_44 = tpu.memref_squeeze %dma_start3A_43 : memref<1x8x2048xf32, #tpu.memory_space<hbm>> -> memref<8x2048xf32, #tpu.memory_space<hbm>>
    tpu.enqueue_dma source(%dma_start3A_44 : memref<8x2048xf32, #tpu.memory_space<hbm>>) target(%arg9 : memref<8x2048xf32, #tpu.memory_space<vmem>>) target_semaphore(%arg13 : memref<!tpu.dma_semaphore, #tpu.memory_space<semaphore_mem>>)
    %scan3A_45 = arith.constant 0 : i32
    %scan3A_46 = arith.constant 0 : i32
    %scan3A_47 = arith.constant 16 : i32
    %scan3A_48 = arith.addi %scan3A_46, %scan3A_47 : i32
    %scan3A_49 = arith.constant 1 : i32
    scf.for %scan3A_66 = %scan3A_46 to %scan3A_48 step %scan3A_49  : i32 {
      %mul3A_67 = arith.constant 2 : i32
      %mul3A_68 = arith.muli %scan3A_66, %mul3A_67 : i32
      %add3A_69 = arith.constant 0 : i32
      %add3A_70 = arith.addi %mul3A_68, %add3A_69 : i32
      %add3A_71 = arith.constant 1 : i32
      %add3A_72 = arith.addi %add3A_70, %add3A_71 : i32
      %lt3A_73 = arith.constant 32 : i32
      %lt3A_74 = arith.cmpi slt, %add3A_72, %lt3A_73 : i32
      %convert_element_type3A = arith.extui %lt3A_74 : i1 to i32
      %cond3A = arith.constant 0 : i32
      %cond3A_75 = arith.cmpi ne, %convert_element_type3A, %cond3A : i32
      scf.if %cond3A_75 {
        %add3A_132 = arith.constant 1 : i32
        %add3A_133 = arith.addi %add3A_70, %add3A_132 : i32
        %mul3A_134 = arith.constant 8 : i32
        %mul3A_135 = arith.muli %add3A_133, %mul3A_134 : i32
        %add3A_136 = arith.addi %mul3A_32, %mul3A_135 : i32
        %dma_start3A_137 = arith.constant 0 : i32
        %dma_start3A_138 = tpu.memref_slice %arg2[%select_n3A, %add3A_136, %dma_start3A_137] : memref<2x4096x2048xf32, #tpu.memory_space<hbm>> -> memref<1x8x2048xf32, #tpu.memory_space<hbm>>
        %dma_start3A_139 = tpu.memref_squeeze %dma_start3A_138 : memref<1x8x2048xf32, #tpu.memory_space<hbm>> -> memref<8x2048xf32, #tpu.memory_space<hbm>>
        %dma_start3A_140 = arith.constant 0 : i32
        %dma_start3A_141 = tpu.memref_slice %arg2[%select_n3A, %add3A_136, %dma_start3A_140] : memref<2x4096x2048xf32, #tpu.memory_space<hbm>> -> memref<1x8x2048xf32, #tpu.memory_space<hbm>>
        %dma_start3A_142 = tpu.memref_squeeze %dma_start3A_141 : memref<1x8x2048xf32, #tpu.memory_space<hbm>> -> memref<8x2048xf32, #tpu.memory_space<hbm>>
        tpu.enqueue_dma source(%dma_start3A_142 : memref<8x2048xf32, #tpu.memory_space<hbm>>) target(%arg10 : memref<8x2048xf32, #tpu.memory_space<vmem>>) target_semaphore(%arg14 : memref<!tpu.dma_semaphore, #tpu.memory_space<semaphore_mem>>)
      } else {
      }
      %mul3A_76 = arith.constant 8 : i32
      %mul3A_77 = arith.muli %add3A_70, %mul3A_76 : i32
      %add3A_78 = arith.addi %mul3A_32, %mul3A_77 : i32
      %dma_wait3A_79 = arith.constant 0 : i32
      %dma_wait3A_80 = tpu.memref_slice %arg2[%select_n3A, %add3A_78, %dma_wait3A_79] : memref<2x4096x2048xf32, #tpu.memory_space<hbm>> -> memref<1x8x2048xf32, #tpu.memory_space<hbm>>
      %dma_wait3A_81 = tpu.memref_squeeze %dma_wait3A_80 : memref<1x8x2048xf32, #tpu.memory_space<hbm>> -> memref<8x2048xf32, #tpu.memory_space<hbm>>
      %dma_wait3A_82 = arith.constant 0 : i32
      %dma_wait3A_83 = tpu.memref_slice %arg2[%select_n3A, %add3A_78, %dma_wait3A_82] : memref<2x4096x2048xf32, #tpu.memory_space<hbm>> -> memref<1x8x2048xf32, #tpu.memory_space<hbm>>
      %dma_wait3A_84 = tpu.memref_squeeze %dma_wait3A_83 : memref<1x8x2048xf32, #tpu.memory_space<hbm>> -> memref<8x2048xf32, #tpu.memory_space<hbm>>
      tpu.wait_dma2 semaphore(%arg13 : memref<!tpu.dma_semaphore, #tpu.memory_space<semaphore_mem>>) src(%dma_wait3A_84 : memref<8x2048xf32, #tpu.memory_space<hbm>>) dst(%arg9 : memref<8x2048xf32, #tpu.memory_space<vmem>>)
      %ge3A = arith.constant 2 : i32
      %ge3A_85 = arith.cmpi sge, %add3A_70, %ge3A : i32
      %convert_element_type3A_86 = arith.extui %ge3A_85 : i1 to i32
      %cond3A_87 = arith.constant 0 : i32
      %cond3A_88 = arith.cmpi ne, %convert_element_type3A_86, %cond3A_87 : i32
      scf.if %cond3A_88 {
        %sub3A_132 = arith.constant 2 : i32
        %sub3A_133 = arith.subi %add3A_70, %sub3A_132 : i32
        %mul3A_134 = arith.constant 8 : i32
        %mul3A_135 = arith.muli %sub3A_133, %mul3A_134 : i32
        %add3A_136 = arith.addi %mul3A_32, %mul3A_135 : i32
        %dma_wait3A_137 = arith.constant 0 : i32
        %dma_wait3A_138 = tpu.memref_slice %arg5[%select_n3A, %add3A_136, %dma_wait3A_137] : memref<2x4096x2048xf32, #tpu.memory_space<hbm>> -> memref<1x8x2048xf32, #tpu.memory_space<hbm>>
        %dma_wait3A_139 = tpu.memref_squeeze %dma_wait3A_138 : memref<1x8x2048xf32, #tpu.memory_space<hbm>> -> memref<8x2048xf32, #tpu.memory_space<hbm>>
        %dma_wait3A_140 = arith.constant 0 : i32
        %dma_wait3A_141 = tpu.memref_slice %arg5[%select_n3A, %add3A_136, %dma_wait3A_140] : memref<2x4096x2048xf32, #tpu.memory_space<hbm>> -> memref<1x8x2048xf32, #tpu.memory_space<hbm>>
        %dma_wait3A_142 = tpu.memref_squeeze %dma_wait3A_141 : memref<1x8x2048xf32, #tpu.memory_space<hbm>> -> memref<8x2048xf32, #tpu.memory_space<hbm>>
        tpu.wait_dma2 semaphore(%arg15 : memref<!tpu.dma_semaphore, #tpu.memory_space<semaphore_mem>>) src(%arg11 : memref<8x2048xf32, #tpu.memory_space<vmem>>) dst(%dma_wait3A_142 : memref<8x2048xf32, #tpu.memory_space<hbm>>)
      } else {
      }
      %mul3A_89 = arith.constant 8 : i32
      %mul3A_90 = arith.muli %add3A_70, %mul3A_89 : i32
      %add3A_91 = arith.addi %mul3A_32, %mul3A_90 : i32
      %dma_start3A_92 = arith.constant 0 : i32
      %dma_start3A_93 = tpu.memref_slice %arg5[%select_n3A, %add3A_91, %dma_start3A_92] : memref<2x4096x2048xf32, #tpu.memory_space<hbm>> -> memref<1x8x2048xf32, #tpu.memory_space<hbm>>
      %dma_start3A_94 = tpu.memref_squeeze %dma_start3A_93 : memref<1x8x2048xf32, #tpu.memory_space<hbm>> -> memref<8x2048xf32, #tpu.memory_space<hbm>>
      %dma_start3A_95 = arith.constant 0 : i32
      %dma_start3A_96 = tpu.memref_slice %arg5[%select_n3A, %add3A_91, %dma_start3A_95] : memref<2x4096x2048xf32, #tpu.memory_space<hbm>> -> memref<1x8x2048xf32, #tpu.memory_space<hbm>>
      %dma_start3A_97 = tpu.memref_squeeze %dma_start3A_96 : memref<1x8x2048xf32, #tpu.memory_space<hbm>> -> memref<8x2048xf32, #tpu.memory_space<hbm>>
      tpu.enqueue_dma source(%arg11 : memref<8x2048xf32, #tpu.memory_space<vmem>>) target(%dma_start3A_97 : memref<8x2048xf32, #tpu.memory_space<hbm>>) target_semaphore(%arg15 : memref<!tpu.dma_semaphore, #tpu.memory_space<semaphore_mem>>)
      %mul3A_98 = arith.constant 2 : i32
      %mul3A_99 = arith.muli %scan3A_66, %mul3A_98 : i32
      %add3A_100 = arith.constant 1 : i32
      %add3A_101 = arith.addi %mul3A_99, %add3A_100 : i32
      %add3A_102 = arith.constant 1 : i32
      %add3A_103 = arith.addi %add3A_101, %add3A_102 : i32
      %lt3A_104 = arith.constant 32 : i32
      %lt3A_105 = arith.cmpi slt, %add3A_103, %lt3A_104 : i32
      %convert_element_type3A_106 = arith.extui %lt3A_105 : i1 to i32
      %cond3A_107 = arith.constant 0 : i32
      %cond3A_108 = arith.cmpi ne, %convert_element_type3A_106, %cond3A_107 : i32
      scf.if %cond3A_108 {
        %add3A_132 = arith.constant 1 : i32
        %add3A_133 = arith.addi %add3A_101, %add3A_132 : i32
        %mul3A_134 = arith.constant 8 : i32
        %mul3A_135 = arith.muli %add3A_133, %mul3A_134 : i32
        %add3A_136 = arith.addi %mul3A_32, %mul3A_135 : i32
        %dma_start3A_137 = arith.constant 0 : i32
        %dma_start3A_138 = tpu.memref_slice %arg2[%select_n3A, %add3A_136, %dma_start3A_137] : memref<2x4096x2048xf32, #tpu.memory_space<hbm>> -> memref<1x8x2048xf32, #tpu.memory_space<hbm>>
        %dma_start3A_139 = tpu.memref_squeeze %dma_start3A_138 : memref<1x8x2048xf32, #tpu.memory_space<hbm>> -> memref<8x2048xf32, #tpu.memory_space<hbm>>
        %dma_start3A_140 = arith.constant 0 : i32
        %dma_start3A_141 = tpu.memref_slice %arg2[%select_n3A, %add3A_136, %dma_start3A_140] : memref<2x4096x2048xf32, #tpu.memory_space<hbm>> -> memref<1x8x2048xf32, #tpu.memory_space<hbm>>
        %dma_start3A_142 = tpu.memref_squeeze %dma_start3A_141 : memref<1x8x2048xf32, #tpu.memory_space<hbm>> -> memref<8x2048xf32, #tpu.memory_space<hbm>>
        tpu.enqueue_dma source(%dma_start3A_142 : memref<8x2048xf32, #tpu.memory_space<hbm>>) target(%arg9 : memref<8x2048xf32, #tpu.memory_space<vmem>>) target_semaphore(%arg13 : memref<!tpu.dma_semaphore, #tpu.memory_space<semaphore_mem>>)
      } else {
      }
      %mul3A_109 = arith.constant 8 : i32
      %mul3A_110 = arith.muli %add3A_101, %mul3A_109 : i32
      %add3A_111 = arith.addi %mul3A_32, %mul3A_110 : i32
      %dma_wait3A_112 = arith.constant 0 : i32
      %dma_wait3A_113 = tpu.memref_slice %arg2[%select_n3A, %add3A_111, %dma_wait3A_112] : memref<2x4096x2048xf32, #tpu.memory_space<hbm>> -> memref<1x8x2048xf32, #tpu.memory_space<hbm>>
      %dma_wait3A_114 = tpu.memref_squeeze %dma_wait3A_113 : memref<1x8x2048xf32, #tpu.memory_space<hbm>> -> memref<8x2048xf32, #tpu.memory_space<hbm>>
      %dma_wait3A_115 = arith.constant 0 : i32
      %dma_wait3A_116 = tpu.memref_slice %arg2[%select_n3A, %add3A_111, %dma_wait3A_115] : memref<2x4096x2048xf32, #tpu.memory_space<hbm>> -> memref<1x8x2048xf32, #tpu.memory_space<hbm>>
      %dma_wait3A_117 = tpu.memref_squeeze %dma_wait3A_116 : memref<1x8x2048xf32, #tpu.memory_space<hbm>> -> memref<8x2048xf32, #tpu.memory_space<hbm>>
      tpu.wait_dma2 semaphore(%arg14 : memref<!tpu.dma_semaphore, #tpu.memory_space<semaphore_mem>>) src(%dma_wait3A_117 : memref<8x2048xf32, #tpu.memory_space<hbm>>) dst(%arg10 : memref<8x2048xf32, #tpu.memory_space<vmem>>)
      %ge3A_118 = arith.constant 2 : i32
      %ge3A_119 = arith.cmpi sge, %add3A_101, %ge3A_118 : i32
      %convert_element_type3A_120 = arith.extui %ge3A_119 : i1 to i32
      %cond3A_121 = arith.constant 0 : i32
      %cond3A_122 = arith.cmpi ne, %convert_element_type3A_120, %cond3A_121 : i32
      scf.if %cond3A_122 {
        %sub3A_132 = arith.constant 2 : i32
        %sub3A_133 = arith.subi %add3A_101, %sub3A_132 : i32
        %mul3A_134 = arith.constant 8 : i32
        %mul3A_135 = arith.muli %sub3A_133, %mul3A_134 : i32
        %add3A_136 = arith.addi %mul3A_32, %mul3A_135 : i32
        %dma_wait3A_137 = arith.constant 0 : i32
        %dma_wait3A_138 = tpu.memref_slice %arg5[%select_n3A, %add3A_136, %dma_wait3A_137] : memref<2x4096x2048xf32, #tpu.memory_space<hbm>> -> memref<1x8x2048xf32, #tpu.memory_space<hbm>>
        %dma_wait3A_139 = tpu.memref_squeeze %dma_wait3A_138 : memref<1x8x2048xf32, #tpu.memory_space<hbm>> -> memref<8x2048xf32, #tpu.memory_space<hbm>>
        %dma_wait3A_140 = arith.constant 0 : i32
        %dma_wait3A_141 = tpu.memref_slice %arg5[%select_n3A, %add3A_136, %dma_wait3A_140] : memref<2x4096x2048xf32, #tpu.memory_space<hbm>> -> memref<1x8x2048xf32, #tpu.memory_space<hbm>>
        %dma_wait3A_142 = tpu.memref_squeeze %dma_wait3A_141 : memref<1x8x2048xf32, #tpu.memory_space<hbm>> -> memref<8x2048xf32, #tpu.memory_space<hbm>>
        tpu.wait_dma2 semaphore(%arg16 : memref<!tpu.dma_semaphore, #tpu.memory_space<semaphore_mem>>) src(%arg12 : memref<8x2048xf32, #tpu.memory_space<vmem>>) dst(%dma_wait3A_142 : memref<8x2048xf32, #tpu.memory_space<hbm>>)
      } else {
      }
      %mul3A_123 = arith.constant 8 : i32
      %mul3A_124 = arith.muli %add3A_101, %mul3A_123 : i32
      %add3A_125 = arith.addi %mul3A_32, %mul3A_124 : i32
      %dma_start3A_126 = arith.constant 0 : i32
      %dma_start3A_127 = tpu.memref_slice %arg5[%select_n3A, %add3A_125, %dma_start3A_126] : memref<2x4096x2048xf32, #tpu.memory_space<hbm>> -> memref<1x8x2048xf32, #tpu.memory_space<hbm>>
      %dma_start3A_128 = tpu.memref_squeeze %dma_start3A_127 : memref<1x8x2048xf32, #tpu.memory_space<hbm>> -> memref<8x2048xf32, #tpu.memory_space<hbm>>
      %dma_start3A_129 = arith.constant 0 : i32
      %dma_start3A_130 = tpu.memref_slice %arg5[%select_n3A, %add3A_125, %dma_start3A_129] : memref<2x4096x2048xf32, #tpu.memory_space<hbm>> -> memref<1x8x2048xf32, #tpu.memory_space<hbm>>
      %dma_start3A_131 = tpu.memref_squeeze %dma_start3A_130 : memref<1x8x2048xf32, #tpu.memory_space<hbm>> -> memref<8x2048xf32, #tpu.memory_space<hbm>>
      tpu.enqueue_dma source(%arg12 : memref<8x2048xf32, #tpu.memory_space<vmem>>) target(%dma_start3A_131 : memref<8x2048xf32, #tpu.memory_space<hbm>>) target_semaphore(%arg16 : memref<!tpu.dma_semaphore, #tpu.memory_space<semaphore_mem>>)
    }
    %scan3A_50 = arith.constant 16 : i32
    %add3A_51 = arith.constant 240 : i32
    %add3A_52 = arith.addi %mul3A_32, %add3A_51 : i32
    %dma_wait3A = arith.constant 0 : i32
    %dma_wait3A_53 = tpu.memref_slice %arg5[%select_n3A, %add3A_52, %dma_wait3A] : memref<2x4096x2048xf32, #tpu.memory_space<hbm>> -> memref<1x8x2048xf32, #tpu.memory_space<hbm>>
    %dma_wait3A_54 = tpu.memref_squeeze %dma_wait3A_53 : memref<1x8x2048xf32, #tpu.memory_space<hbm>> -> memref<8x2048xf32, #tpu.memory_space<hbm>>
    %dma_wait3A_55 = arith.constant 0 : i32
    %dma_wait3A_56 = tpu.memref_slice %arg5[%select_n3A, %add3A_52, %dma_wait3A_55] : memref<2x4096x2048xf32, #tpu.memory_space<hbm>> -> memref<1x8x2048xf32, #tpu.memory_space<hbm>>
    %dma_wait3A_57 = tpu.memref_squeeze %dma_wait3A_56 : memref<1x8x2048xf32, #tpu.memory_space<hbm>> -> memref<8x2048xf32, #tpu.memory_space<hbm>>
    tpu.wait_dma2 semaphore(%arg15 : memref<!tpu.dma_semaphore, #tpu.memory_space<semaphore_mem>>) src(%arg11 : memref<8x2048xf32, #tpu.memory_space<vmem>>) dst(%dma_wait3A_57 : memref<8x2048xf32, #tpu.memory_space<hbm>>)
    %add3A_58 = arith.constant 248 : i32
    %add3A_59 = arith.addi %mul3A_32, %add3A_58 : i32
    %dma_wait3A_60 = arith.constant 0 : i32
    %dma_wait3A_61 = tpu.memref_slice %arg5[%select_n3A, %add3A_59, %dma_wait3A_60] : memref<2x4096x2048xf32, #tpu.memory_space<hbm>> -> memref<1x8x2048xf32, #tpu.memory_space<hbm>>
    %dma_wait3A_62 = tpu.memref_squeeze %dma_wait3A_61 : memref<1x8x2048xf32, #tpu.memory_space<hbm>> -> memref<8x2048xf32, #tpu.memory_space<hbm>>
    %dma_wait3A_63 = arith.constant 0 : i32
    %dma_wait3A_64 = tpu.memref_slice %arg5[%select_n3A, %add3A_59, %dma_wait3A_63] : memref<2x4096x2048xf32, #tpu.memory_space<hbm>> -> memref<1x8x2048xf32, #tpu.memory_space<hbm>>
    %dma_wait3A_65 = tpu.memref_squeeze %dma_wait3A_64 : memref<1x8x2048xf32, #tpu.memory_space<hbm>> -> memref<8x2048xf32, #tpu.memory_space<hbm>>
    tpu.wait_dma2 semaphore(%arg16 : memref<!tpu.dma_semaphore, #tpu.memory_space<semaphore_mem>>) src(%arg12 : memref<8x2048xf32, #tpu.memory_space<vmem>>) dst(%dma_wait3A_65 : memref<8x2048xf32, #tpu.memory_space<hbm>>)
    return
  }
}

</mosaic_0001>

<sc_bundles>
// kernel: kernel.3.cloned.1.call-start
scs
__scs_entry_jumppad:
0x0: {  	(pc) =	sbr.rel $0x88, $3  }
0x1: {  	(tag) =	ssettag $0x0;
	lr =	simm.s32 $0x1  }
0x2: {  	[smem:$0x3F9E] =	sst lr;
	_ =	strace $0xD0000000  }
0x3: {  	_ = 	snop  }
0x4: {  	_ = 	snop  }
0x5: {  	_ = 	snop  }
0x6: {  	_ = 	snop  }
0x7: {  	_ = 	snop  }
__scs_overlays_trampoline_lowered:
0x8: {  	[smem:$0x3FAD] =	sst s0  }
0x9: {  	[smem:$0x3FAE] =	sst s1  }
0xa: {  	[smem:$0x3FAF] =	sst s2  }
0xb: {  	[smem:$0x3FB0] =	sst s3  }
0xc: {  	[smem:$0x3FB1] =	sst s4  }
0xd: {  	[smem:$0x3FB2] =	sst s5  }
0xe: {  	[smem:$0x3FB3] =	sst s6  }
0xf: {  	[smem:$0x3FB4] =	sst s7  }
0x10: {  	[smem:$0x3FB5] =	sst s8  }
0x11: {  	[smem:$0x3FB6] =	sst s9;
	s0 =	simm.s32 @!p0 $0x0  }
0x12: {  	s1 =	sld [smem:$0x3F9C];
	s0 =	simm.s32 @p0 $0x1  }
0x13: {  	[smem:$0x3FB7] =	sst s0;
	s0 =	simm.s32 @!p1 $0x0  }
0x14: {  	s2 =	sld [smem:$0x3F9B];
	s0 =	simm.s32 @p1 $0x1  }
0x15: {  	[smem:$0x3FB8] =	sst s0;
	s0 =	simm.s32 @!p2 $0x0  }
0x16: {  	s3 =	sld [smem:$0x3FDB];
	s0 =	simm.s32 @p2 $0x1  }
0x17: {  	s4 =	simm.s32 $0x1BF5;
	[smem:$0x3FBA] =	sst s0  }
0x18: {  	s0 =	sld [smem:$0x3F9D];
	_ =	swait.ge [sflag:s4], $0x0  }
0x19: {  	s7 =	sld [smem:$0x3F9E]  }
0x1a: {  	s8 =	sadd.s32 $0xFFFFE003, lr  }
0x1b: {  	s9 =	sadd.s32 $0xFFFFFEF7, lr;
	s5 =	simm.s32 $0xFFFFFFFF;
	p2 =	slt.u32 s8, $0xFFFFF086  }
0x1c: {  	p1 =	slt.u32 s9, $0xF7A;
	s5 =	simm.s32 @!p2 $0x0  }
0x1d: {  	s5 =	simm.s32 @p1 $0x1;
	p0 =	seq.s32 s7, s2  }
0x1e: {  	s7 =	smul.u32 @!p0 $0xF7A, s2;
	p2 =	seq.s32 @!p0 s5, $0x0  }
0x1f: {  	s9 =	smul.u32 $0xF7A, s1;
	s8 =	simm.s32 @!p0 $0x1BF5;
	p2 =	por !p2, p0  }
0x20: {  	[sflag:s8] =	ssyncset.s32 @!p0 $0xFFFFF086;
	s6 =	sadd.s32 @!p0 s3, s7;
	s7 =	simm.s32 @!p0 $0x108  }
0x21: {  	s3 =	sadd.s32 s3, s9;
	s6 =	sadd.s32 @!p0 $0x88, s6;
	s7 =	simm.s32 @p2 $0x1082  }
0x22: {  	[simem:s7], [sflag:s8] =	dma.local @!p0 [hbm:s6], $0xF7A  }
0x23: {  	s9 =	sor.u32 $0xD0000000, s2;
	s6 =	simm.s32 $0x108;
	_ =	swait.ge @!p0 [sflag:s8], $0x0  }
0x24: {  	s3 =	sadd.s32 $0x88, s3;
	s6 =	simm.s32 @!p1 $0x1082;
	[sflag:s4] =	ssyncset.s32 $0xFFFFF086  }
0x25: {  	[simem:s6], [sflag:s4] =	dma.local [hbm:s3], $0xF7A  }
0x26: {  	[smem:$0x3F9E] =	sst s1;
	(tag) =	ssettag s2;
	_ =	strace s9  }
0x27: {  	s1 =	sld [smem:$0x3FAE]  }
0x28: {  	s2 =	sld [smem:$0x3FAF]  }
0x29: {  	s4 =	sld [smem:$0x3FB1]  }
0x2a: {  	p0 =	seq.s32 s5, $0x0;
	s5 =	sld [smem:$0x3FB2]  }
0x2b: {  	s6 =	sld [smem:$0x3FB3]  }
0x2c: {  	s7 =	sld [smem:$0x3FB4]  }
0x2d: {  	s3 =	simm.s32 $0x108;
	s8 =	sld [smem:$0x3FB5]  }
0x2e: {  	s3 =	simm.s32 @!p0 $0x1082;
	s9 =	sld [smem:$0x3FB6]  }
0x2f: {  	lr =	sadd.s32 s0, s3;
	s0 =	sld [smem:$0x3FAD]  }
0x30: {  	s3 =	sld [smem:$0x3FB0]  }
0x31: {  	[smem:$0x3FB9] =	sst s10  }
0x32: {  	s10 =	sld [smem:$0x3FB7];
	_ =	sdelay $0x3  }
0x33: {  	p0 =	seq.s32 s10, $0x1;
	s10 =	sld [smem:$0x3FB9];
	_ =	sdelay $0x3  }
0x34: {  	[smem:$0x3FB9] =	sst s10  }
0x35: {  	s10 =	sld [smem:$0x3FB8];
	_ =	sdelay $0x3  }
0x36: {  	p1 =	seq.s32 s10, $0x1;
	s10 =	sld [smem:$0x3FB9];
	_ =	sdelay $0x3  }
0x37: {  	[smem:$0x3FB9] =	sst s10  }
0x38: {  	s10 =	sld [smem:$0x3FBA]  }
0x39: {  	_ = 	snop;
	(pc) =	sbr.ind lr, $3  }
0x3a: {  	_ = 	snop  }
0x3b: {  	_ = 	snop  }
0x3c: {  	p2 =	seq.s32 s10, $0x1;
	s10 =	sld [smem:$0x3FB9]  }
0x3d: {  	_ =	shalt  }
0x3e: {  	_ =	shalt  }
0x3f: {  	_ =	shalt  }
0x40: {  	_ =	shalt  }
0x41: {  	_ =	shalt  }
0x42: {  	_ =	shalt  }
0x43: {  	_ =	shalt  }
0x44: {  	_ =	shalt  }
0x45: {  	_ =	shalt  }
0x46: {  	_ =	shalt  }
0x47: {  	_ =	shalt  }
0x48: {  	_ =	shalt  }
0x49: {  	_ =	shalt  }
0x4a: {  	_ =	shalt  }
0x4b: {  	_ =	shalt  }
0x4c: {  	_ =	shalt  }
0x4d: {  	_ =	shalt  }
0x4e: {  	_ =	shalt  }
0x4f: {  	_ =	shalt  }
0x50: {  	_ =	shalt  }
0x51: {  	_ =	shalt  }
0x52: {  	_ =	shalt  }
0x53: {  	_ =	shalt  }
0x54: {  	_ =	shalt  }
0x55: {  	_ =	shalt  }
0x56: {  	_ =	shalt  }
0x57: {  	_ =	shalt  }
0x58: {  	_ =	shalt  }
0x59: {  	_ =	shalt  }
0x5a: {  	_ =	shalt  }
0x5b: {  	_ =	shalt  }
0x5c: {  	_ =	shalt  }
0x5d: {  	_ =	shalt  }
0x5e: {  	_ =	shalt  }
0x5f: {  	_ =	shalt  }
0x60: {  	_ =	shalt  }
0x61: {  	_ =	shalt  }
0x62: {  	_ =	shalt  }
0x63: {  	_ =	shalt  }
0x64: {  	_ =	shalt  }
0x65: {  	_ =	shalt  }
0x66: {  	_ =	shalt  }
0x67: {  	_ =	shalt  }
0x68: {  	_ =	shalt  }
0x69: {  	_ =	shalt  }
0x6a: {  	_ =	shalt  }
0x6b: {  	_ =	shalt  }
0x6c: {  	_ =	shalt  }
0x6d: {  	_ =	shalt  }
0x6e: {  	_ =	shalt  }
0x6f: {  	_ =	shalt  }
0x70: {  	_ =	shalt  }
0x71: {  	_ =	shalt  }
0x72: {  	_ =	shalt  }
0x73: {  	_ =	shalt  }
0x74: {  	_ =	shalt  }
0x75: {  	_ =	shalt  }
0x76: {  	_ =	shalt  }
0x77: {  	_ =	shalt  }
0x78: {  	_ =	shalt  }
0x79: {  	_ =	shalt  }
0x7a: {  	_ =	shalt  }
0x7b: {  	_ =	shalt  }
0x7c: {  	_ =	shalt  }
0x7d: {  	_ =	shalt  }
0x7e: {  	_ =	shalt  }
0x7f: {  	_ =	shalt  }
0x80: {  	_ =	shalt  }
0x81: {  	_ =	shalt  }
0x82: {  	_ =	shalt  }
0x83: {  	_ =	shalt  }
0x84: {  	_ =	shalt  }
0x85: {  	_ =	shalt  }
0x86: {  	_ =	shalt  }
0x87: {  	_ =	shalt  }
.Lfunc_end0:
.L_simem_size_0:
called_computation_lowered:
.L_overlay_start_0:
0x88: {  	s2 =	sld [smem:$0x3FD9]  }
0x89: {  	s3 =	sld [smem:$0x3FFE];
	_ =	sdelay $0x1  }
0x8a: {  	s1 =	srdreg.scid  }
0x8b: {  	s0 =	sand.u32 $0x1, s1  }
0x8c: {  	s17 =	sshll.u32 s0, $0xA;
	s2 =	sadd.s32 s3, s2  }
0x8d: {  	s2 =	sadd.s32 s2, s17  }
0x8e: {  	[smem:$0x3FC5] =	sst s2  }
0x8f: {  	_ = 	snop  }
0x90: {  	s2 =	sld [smem:$0x3FC9]  }
0x91: {  	s18 =	sld [smem:$0x3FD0];
	(tm) =	ssettm $0x1  }
0x92: {  	s4 =	sld [smem:$0x3FFB];
	_ =	sdelay $0x3  }
0x93: {  	_ =	strace s4  }
0x94: {  	s4 =	sld [smem:$0x3FFC];
	_ =	sdelay $0x3  }
0x95: {  	_ =	strace s4  }
0x96: {  	s4 =	sld [smem:$0x3FFD];
	_ =	sdelay $0x3  }
0x97: {  	_ =	strace s4  }
0x98: {  	_ =	strace $0x8FFFFFFF  }
0x99: {  	s19 =	sld [smem:$0x3FDB];
	_ =	sdelay $0x1  }
0x9a: {  	s5 =	simm.s32 $_scs_section_size  }
0x9b: {  	s6 =	simm.s32 $_size__tile_overlayer_lowered;
	s7 =	simm.s32 $_tile_overlayer_lowered  }
0x9c: {  	s22 =	simm.s32 $0x1BFF;
	s21 =	sshll.u32 s7, $0x1;
	s4 =	sadd.s32 s5, s19  }
0x9d: {  	s8 =	simm.s32 $0x0;
	s20 =	sshll.u32 s6, $0x1;
	s6 =	sadd.s32 s21, s4  }
0x9e: {  	[timem:s8], [sflag:s22] =	dma.local [hbm:s6], s20  }
0x9f: {  	_ =	swait.ge [sflag:s22], s20  }
0xa0: {  	s5 =	ssub.s32 $0x0, s20;
	[sflag:s22] =	ssyncset.done $0x0  }
0xa1: {  	[sflag:s22] =	ssyncadd.s32 s5;
	_ =	sdelay $0x1  }
0xa2: {  	s23 =	simm.s32 $0x1B8B  }
0xa3: {  	_ =	swait.ge [sflag:s23], $0x1  }
0xa4: {  	[sflag:s23] =	ssyncset.done $0x0  }
0xa5: {  	s25 =	simm.s32 $0x1B8E;
	s24 =	sld [smem:$0x3FFE];
	[sflag:s23] =	ssyncadd.s32 $0xFFFFFFFF  }
0xa6: {  	s26 =	simm.s32 $execute0_lowered;
	[smem:$0x3FD2] =	sst s25  }
0xa7: {  	s6 =	sshll.u32 s26, $0x1;
	_ =	strace $0x80000046;
	[dreg:$0x1] =	wrdreg $0xFFFFFFFF  }
0xa8: {  	s28 =	simm.s32 $_size_execute0_lowered;
	s4 =	sadd.s32 s4, s6;
	[dreg:$0x0] =	wrdreg $0x0  }
0xa9: {  	s6 =	sshll.u32 s28, $0x1;
	[dreg:$0x2] =	wrdreg s4  }
0xaa: {  	[dreg:$0x3] =	wrdreg s6  }
0xab: {  	[dreg:$0x4] =	wrdreg $0xC0  }
0xac: {  	_ =	task [dreg:s8], $0x5FFFF  }
0xad: {  	[dreg:$0x1] =	wrdreg $0xFFFFFFFF  }
0xae: {  	[dreg:$0x0] =	wrdreg $0x60  }
0xaf: {  	[dreg:$0x2] =	wrdreg s2  }
0xb0: {  	[dreg:$0x3] =	wrdreg s24  }
0xb1: {  	[dreg:$0x4] =	wrdreg s18  }
0xb2: {  	[dreg:$0x5] =	wrdreg $0x9  }
0xb3: {  	_ =	task.clear_ibuf [dreg:s8], $0x6FFFF;
	_ =	strace $0x90000046  }
0xb4: {  	s29 =	simm.s32 $0x9;
	_ =	strace $0x80000048  }
0xb5: {  	_ =	swait.ge [sflag:s29], $0x1  }
0xb6: {  	[sflag:s29] =	ssyncadd.s32 $0xFFFFFFFF  }
0xb7: {  	_ =	strace $0x90000048  }
0xb8: {  	_ =	sfence  }
0xb9: {  	s30 =	sld [smem:$0x0];
	_ =	sdelay $0x2  }
0xba: {  	s31 =	sshll.u32 s1, $0xD;
	s1 =	sshrl.u32 s1, $0x2  }
0xbb: {  	s3 =	sand.u32 $0x4000, s31;
	s1 =	sadd.s32 s1, s30  }
0xbc: {  	s0 =	sor.u32 s3, s0;
	s1 =	sshll.u32 s1, $0x11  }
0xbd: {  	s0 =	sor.u32 s1, s0  }
0xbe: {  	s0 =	sadd.s32 $0x8F2B, s0  }
0xbf: {  	[sflag:s0] =	ssyncadd.remote.s32 $0x1  }
0xc0: {  	_ =	sfence.sel $0xFFFF  }
0xc1: {  	[dreg:$0x0] =	wrdreg $0xFFFFFFFF;
	(pc) =	sbr.abs _section_cstart, $3  }
0xc2: {  	[dreg:$0x1] =	wrdreg $0xFFFFFFFF  }
0xc3: {  	_ =	task.clear_ibuf [dreg:s8], $0x2FFFF;
	_ =	strace $0x9FFFFFFF  }
0xc4: {  	(tm) =	ssettm $0x7FFFFFFF  }
0xc5: {  	_ =	shalt  }
tec
execute0_lowered:
.L_overlay_start_1:
0x0: {  	(tag) =	ssettag $0x1  }
0x1: {  	s0 =	rddreg [dreg:$0x0]  }
0x2: {  	s1 =	rddreg [dreg:$0x1]  }
0x3: {  	s16 =	rddreg [dreg:$0x2]  }
0x4: {  	s13 =	stileid.u32;
	s3 =	srdreg.scid;
	s2 =	simm.s32 $0x0  }
0x5: {  	s18 =	simm.s32 $0x2000;
	s28 =	simm.s32 $0x3;
	s29 =	simm.s32 $0x4  }
0x6: {  	s30 =	simm.s32 $0x0;
	s4 =	sshll.u32 s13, $0x1;
	s10 =	sand.u32 $0x1, s3  }
0x7: {  	[smem:$0x7FF] =	sst s2;
	s20 =	sshll.u32 s13, $0x14;
	s13 =	sand.u32 $0x7, s13  }
0x8: {  	s19 =	sand.u32 $0xE, s4;
	_ =	strace $0x80000047;
	s11 =	sand.u32 $0x800000, s20  }
0x9: {  	s5 =	ssub.s32 $0x2, s10;
	s4 =	sadd.s32 $0x600, s1;
	s13 =	sshll.u32 s13, $0x14  }
0xa: {  	s25 =	sshll.u32 s10, $0x13;
	s20 =	simm.s32 $0x2400;
	s3 =	sor.u32 s10, s19  }
0xb: {  	s22 =	sshrl.u32 s5, $0x1;
	s24 =	sor.u32 s13, s11;
	s19 =	simm.s32 $0x5  }
0xc: {  	s21 =	sshll.u32 s3, $0x13;
	s3 =	sadd.s32 $0x400, s1;
	s1 =	ssub.s32 s5, s22  }
0xd: {  	s26 =	sor.u32 s25, s24;
	s22 =	simm.s32 $0x8400;
	s24 =	simm.s32 $0xC400  }
0xe: {  	s25 =	simm.s32 $0x2;
	s6 =	sor.u32 s11, s21;
	s31 =	sor.u32 $0x8000, s26  }
0xf: {  	s15 =	sor.u32 $0x10000, s26;
	s21 =	simm.s32 $0x4400;
	s12 =	sshrl.u32 s6, $0x3  }
0x10: {  	s7 =	sor.u32 $0x4000, s6;
	s8 =	sor.u32 $0x8000, s6;
	s6 =	smax.u32 s1, $0x1  }
0x11: {  	s1 =	sor.u32 $0xC000, s26;
	s15 =	sshrl.u32 s15, $0x3;
	s26 =	simm.s32 $0x10400  }
0x12: {  	s5 =	sadd.s32 s0, s12;
	s23 =	sshrl.u32 s7, $0x3;
	s9 =	sshrl.u32 s8, $0x3  }
0x13: {  	s8 =	sadd.s32 s16, s12;
	s14 =	sor.u32 $0xF800, s12;
	s1 =	sshrl.u32 s1, $0x3  }
0x14: {  	s15 =	sadd.s32 s15, s0;
	s7 =	sadd.s32 s0, s23;
	s9 =	sadd.s32 s0, s9  }
0x15: {  	s10 =	sadd.s32 s16, s23;
	s11 =	sadd.s32 s0, s14;
	s12 =	sadd.s32 $0xF000, s8  }
0x16: {  	s13 =	sadd.s32 s16, s14;
	s14 =	sshrl.u32 s31, $0x3;
	s17 =	sadd.s32 s1, s0  }
0x17: {  	s23 =	simm.s32 $0x1;
	s14 =	sadd.s32 s14, s16;
	s16 =	sadd.s32 s1, s16  }
.LBB2_1:
0x18: {  	[tilespmem:s18], [sflag:$0x5] =	stream.linear.gather [hbm4b:s3+s2], $0x400, $0x38;
	[tilespmem:$0x14400] =	vst v63  }
0x19: {  	_ =	swait.ge [sflag:s19], $0x400  }
0x1a: {  	[sflag:s19] =	ssyncset.done $0x0  }
0x1b: {  	[sflag:s19] =	ssyncadd.s32 $0xFFFFFC00  }
0x1c: {  	[tilespmem:s20], [sflag:$0x5] =	stream.linear.gather [hbm4b:s4+s2], $0x2000, $0x38;
	[tilespmem:$0x14400] =	vst v63  }
0x1d: {  	_ =	swait.ge [sflag:s19], $0x2000  }
0x1e: {  	[sflag:s19] =	ssyncset.done $0x0  }
0x1f: {  	s31 =	simm.s32 $0x0;
	[sflag:s19] =	ssyncadd.s32 $0xFFFFE000  }
0x20: {  	v0 =	vld [tilespmem:s31+$0x2400]  }
0x21: {  	v1 =	vld [tilespmem:s31+$0x2470]  }
0x22: {  	v2 =	vld [tilespmem:s31+$0x2410]  }
0x23: {  	v3 =	vld [tilespmem:s31+$0x2420]  }
0x24: {  	v4 =	vld [tilespmem:s31+$0x2430]  }
0x25: {  	v7 =	vld [tilespmem:s31+$0x2440]  }
0x26: {  	v8 =	vld [tilespmem:s31+$0x2450]  }
0x27: {  	v9 =	vld [tilespmem:s31+$0x2460]  }
0x28: {  	v10 =	vld.idx.msk [tilespmem:v0+s18+$0x0], $0xffff  }
0x29: {  	v0 =	vld.idx.msk [tilespmem:v1+s18+$0x0], $0xffff  }
0x2a: {  	v6 =	vld.idx.msk [tilespmem:v2+s18+$0x0], $0xffff  }
0x2b: {  	v5 =	vld.idx.msk [tilespmem:v3+s18+$0x0], $0xffff  }
0x2c: {  	v4 =	vld.idx.msk [tilespmem:v4+s18+$0x0], $0xffff  }
0x2d: {  	v3 =	vld.idx.msk [tilespmem:v7+s18+$0x0], $0xffff  }
0x2e: {  	v2 =	vld.idx.msk [tilespmem:v8+s18+$0x0], $0xffff  }
0x2f: {  	s0 =	simm.s32 $0x80;
	v1 =	vld.idx.msk [tilespmem:v9+s18+$0x0], $0xffff;
	[tilespmem:s31+$0x70] =	vst v0  }
0x30: {  	s1 =	simm.s32 $0x400;
	v0 =	vld [tilespmem:s0+$0x2400];
	[tilespmem:s31+$0x0] =	vst v10  }
.LBB2_2:
0x31: {  	p0 =	sne.s32 s1, $0x7E00;
	v7 =	vld [tilespmem:s0+$0x2470];
	[tilespmem:s31+$0x10] =	vst v6  }
0x32: {  	v6 =	vld [tilespmem:s0+$0x2410];
	[tilespmem:s31+$0x20] =	vst v5  }
0x33: {  	v5 =	vld [tilespmem:s0+$0x2420];
	[tilespmem:s31+$0x30] =	vst v4  }
0x34: {  	v4 =	vld [tilespmem:s0+$0x2430];
	[tilespmem:s31+$0x40] =	vst v3  }
0x35: {  	v3 =	vld [tilespmem:s0+$0x2440];
	[tilespmem:s31+$0x50] =	vst v2  }
0x36: {  	v2 =	vld [tilespmem:s0+$0x2450];
	[tilespmem:s31+$0x60] =	vst v1;
	s31 =	smov.u32 s0  }
0x37: {  	v1 =	vld [tilespmem:s31+$0x2460]  }
0x38: {  	v8 =	vld.idx.msk [tilespmem:v0+s18+$0x0], $0xffff  }
0x39: {  	v0 =	vld.idx.msk [tilespmem:v7+s18+$0x0], $0xffff  }
0x3a: {  	v6 =	vld.idx.msk [tilespmem:v6+s18+$0x0], $0xffff  }
0x3b: {  	v5 =	vld.idx.msk [tilespmem:v5+s18+$0x0], $0xffff  }
.Ltmp0:
0x3c: {  	v4 =	vld.idx.msk [tilespmem:v4+s18+$0x0], $0xffff;
	(pc) =	sbr.rel @p0 .LBB2_2-.Ltmp0, $4  }
0x3d: {  	v3 =	vld.idx.msk [tilespmem:v3+s18+$0x0], $0xffff  }
0x3e: {  	v2 =	vld.idx.msk [tilespmem:v2+s18+$0x0], $0xffff  }
0x3f: {  	s0 =	sshra.s32 s1, $0x2;
	v1 =	vld.idx.msk [tilespmem:v1+s18+$0x0], $0xffff;
	[tilespmem:s31+$0x70] =	vst v0  }
0x40: {  	s1 =	sadd.s32 $0x200, s1;
	v0 =	vld [tilespmem:s0+$0x2400];
	[tilespmem:s31+$0x0] =	vst v8  }
0x41: {  	_ = 	snop  }
0x42: {  	v7 =	vld [tilespmem:s0+$0x2470];
	[tilespmem:s31+$0x10] =	vst v6  }
0x43: {  	v6 =	vld [tilespmem:s0+$0x2410];
	[tilespmem:s31+$0x20] =	vst v5  }
0x44: {  	v5 =	vld [tilespmem:s0+$0x2420];
	[tilespmem:s31+$0x30] =	vst v4  }
0x45: {  	v4 =	vld [tilespmem:s0+$0x2430];
	[tilespmem:s31+$0x40] =	vst v3  }
0x46: {  	v3 =	vld [tilespmem:s0+$0x2440];
	[tilespmem:s31+$0x50] =	vst v2  }
0x47: {  	v2 =	vld [tilespmem:s0+$0x2450];
	[tilespmem:s31+$0x60] =	vst v1  }
0x48: {  	v1 =	vld [tilespmem:s0+$0x2460]  }
0x49: {  	v0 =	vld.idx.msk [tilespmem:v0+s18+$0x0], $0xffff  }
0x4a: {  	v7 =	vld.idx.msk [tilespmem:v7+s18+$0x0], $0xffff  }
0x4b: {  	v6 =	vld.idx.msk [tilespmem:v6+s18+$0x0], $0xffff  }
0x4c: {  	v5 =	vld.idx.msk [tilespmem:v5+s18+$0x0], $0xffff  }
0x4d: {  	v4 =	vld.idx.msk [tilespmem:v4+s18+$0x0], $0xffff  }
0x4e: {  	v3 =	vld.idx.msk [tilespmem:v3+s18+$0x0], $0xffff  }
0x4f: {  	v2 =	vld.idx.msk [tilespmem:v2+s18+$0x0], $0xffff  }
0x50: {  	v1 =	vld.idx.msk [tilespmem:v1+s18+$0x0], $0xffff;
	[tilespmem:s0+$0x70] =	vst v7  }
0x51: {  	[tilespmem:s0+$0x0] =	vst v0  }
0x52: {  	[tilespmem:s0+$0x10] =	vst v6  }
0x53: {  	[tilespmem:s0+$0x20] =	vst v5  }
0x54: {  	[tilespmem:s0+$0x30] =	vst v4  }
0x55: {  	[tilespmem:s0+$0x40] =	vst v3  }
0x56: {  	[tilespmem:s0+$0x50] =	vst v2  }
0x57: {  	s1 =	simm.s32 $0x0;
	[tilespmem:s0+$0x60] =	vst v1  }
0x58: {  	[tilespmem:s21], [sflag:$0x1] =	stream.linear.gather [hbm4b:s5+s1], $0x4000, $0x38;
	[tilespmem:$0x14400] =	vst v63  }
0x59: {  	_ = 	snop  }
0x5a: {  	[tilespmem:s22], [sflag:$0x2] =	stream.linear.gather [hbm4b:s7+s1], $0x4000, $0x38;
	[tilespmem:$0x14400] =	vst v63  }
0x5b: {  	_ =	swait.ge [sflag:s23], $0x4000  }
0x5c: {  	[sflag:s23] =	ssyncset.done $0x0  }
0x5d: {  	[sflag:s23] =	ssyncadd.s32 $0xFFFFC000  }
0x5e: {  	[hbm4b:s8+s1] =	stream.linear.scatter [tilespmem:s24], [sflag:$0x3], $0x4000, $0x38;
	[tilespmem:$0x14400] =	vst v63  }
0x5f: {  	_ = 	snop  }
0x60: {  	[tilespmem:s21], [sflag:$0x1] =	stream.linear.gather [hbm4b:s9+s1], $0x4000, $0x38;
	[tilespmem:$0x14400] =	vst v63  }
0x61: {  	_ =	swait.ge [sflag:s25], $0x4000  }
0x62: {  	[sflag:s25] =	ssyncset.done $0x0  }
0x63: {  	[sflag:s25] =	ssyncadd.s32 $0xFFFFC000  }
0x64: {  	[hbm4b:s10+s1] =	stream.linear.scatter [tilespmem:s26], [sflag:$0x4], $0x4000, $0x38;
	[tilespmem:$0x14400] =	vst v63  }
0x65: {  	s31 =	sadd.s32 $0x0, s17  }
0x66: {  	[tilespmem:s22], [sflag:$0x2] =	stream.linear.gather [hbm4b:s31+s2], $0x4000, $0x38;
	[tilespmem:$0x14400] =	vst v63  }
0x67: {  	_ =	swait.ge [sflag:s23], $0x4000  }
0x68: {  	[sflag:s23] =	ssyncset.done $0x0  }
0x69: {  	[sflag:s23] =	ssyncadd.s32 $0xFFFFC000  }
0x6a: {  	_ =	swait.ge [sflag:s28], $0x4000  }
0x6b: {  	[sflag:s28] =	ssyncset.done $0x0  }
0x6c: {  	s1 =	sadd.s32 $0x0, s14;
	[sflag:s28] =	ssyncadd.s32 $0xFFFFC000  }
0x6d: {  	[hbm4b:s1+s2] =	stream.linear.scatter [tilespmem:s24], [sflag:$0x3], $0x4000, $0x38;
	[tilespmem:$0x14400] =	vst v63  }
0x6e: {  	s31 =	sadd.s32 $0x0, s15  }
0x6f: {  	[tilespmem:s21], [sflag:$0x1] =	stream.linear.gather [hbm4b:s31+s2], $0x4000, $0x38;
	[tilespmem:$0x14400] =	vst v63  }
0x70: {  	_ =	swait.ge [sflag:s25], $0x4000  }
0x71: {  	[sflag:s25] =	ssyncset.done $0x0  }
0x72: {  	[sflag:s25] =	ssyncadd.s32 $0xFFFFC000  }
0x73: {  	_ =	swait.ge [sflag:s29], $0x4000  }
0x74: {  	[sflag:s29] =	ssyncset.done $0x0  }
0x75: {  	s0 =	simm.s32 $0x1000;
	s1 =	sadd.s32 $0x0, s16;
	[sflag:s29] =	ssyncadd.s32 $0xFFFFC000  }
.LBB2_4:
0x76: {  	[hbm4b:s1+s2] =	stream.linear.scatter [tilespmem:s26], [sflag:$0x4], $0x4000, $0x38;
	[tilespmem:$0x14400] =	vst v63  }
0x77: {  	s1 =	smov.u32 s0  }
0x78: {  	p0 =	sne.s32 s0, $0xD000;
	s0 =	sadd.s32 $0x1000, s0;
	s31 =	sadd.s32 s1, s17  }
0x79: {  	[tilespmem:s22], [sflag:$0x2] =	stream.linear.gather [hbm4b:s31+s2], $0x4000, $0x38;
	[tilespmem:$0x14400] =	vst v63  }
0x7a: {  	_ =	swait.ge [sflag:s23], $0x4000  }
0x7b: {  	[sflag:s23] =	ssyncset.done $0x0  }
0x7c: {  	[sflag:s23] =	ssyncadd.s32 $0xFFFFC000  }
0x7d: {  	_ =	swait.ge [sflag:s28], $0x4000  }
0x7e: {  	[sflag:s28] =	ssyncset.done $0x0  }
0x7f: {  	s31 =	sadd.s32 s1, s14;
	[sflag:s28] =	ssyncadd.s32 $0xFFFFC000  }
0x80: {  	[hbm4b:s31+s2] =	stream.linear.scatter [tilespmem:s24], [sflag:$0x3], $0x4000, $0x38;
	[tilespmem:$0x14400] =	vst v63  }
0x81: {  	s31 =	sadd.s32 s1, s15  }
0x82: {  	[tilespmem:s21], [sflag:$0x1] =	stream.linear.gather [hbm4b:s31+s2], $0x4000, $0x38;
	[tilespmem:$0x14400] =	vst v63  }
0x83: {  	_ =	swait.ge [sflag:s25], $0x4000  }
.Ltmp1:
0x84: {  	[sflag:s25] =	ssyncset.done $0x0;
	(pc) =	sbr.rel @p0 .LBB2_4-.Ltmp1, $4  }
0x85: {  	[sflag:s25] =	ssyncadd.s32 $0xFFFFC000  }
0x86: {  	_ =	swait.ge [sflag:s29], $0x4000  }
0x87: {  	[sflag:s29] =	ssyncset.done $0x0  }
0x88: {  	s1 =	sadd.s32 s1, s16;
	[sflag:s29] =	ssyncadd.s32 $0xFFFFC000  }
0x89: {  	[hbm4b:s1+s2] =	stream.linear.scatter [tilespmem:s26], [sflag:$0x4], $0x4000, $0x38;
	[tilespmem:$0x14400] =	vst v63  }
0x8a: {  	_ = 	snop  }
0x8b: {  	[tilespmem:s22], [sflag:$0x2] =	stream.linear.gather [hbm4b:s11+s2], $0x4000, $0x38;
	[tilespmem:$0x14400] =	vst v63  }
0x8c: {  	_ =	swait.ge [sflag:s23], $0x4000  }
0x8d: {  	[sflag:s23] =	ssyncset.done $0x0  }
0x8e: {  	[sflag:s23] =	ssyncadd.s32 $0xFFFFC000  }
0x8f: {  	_ =	swait.ge [sflag:s28], $0x4000  }
0x90: {  	[sflag:s28] =	ssyncset.done $0x0  }
0x91: {  	[sflag:s28] =	ssyncadd.s32 $0xFFFFC000  }
0x92: {  	[hbm4b:s12+s2] =	stream.linear.scatter [tilespmem:s24], [sflag:$0x3], $0x4000, $0x38;
	[tilespmem:$0x14400] =	vst v63  }
0x93: {  	_ =	swait.ge [sflag:s25], $0x4000  }
0x94: {  	[sflag:s25] =	ssyncset.done $0x0  }
0x95: {  	[sflag:s25] =	ssyncadd.s32 $0xFFFFC000  }
0x96: {  	_ =	swait.ge [sflag:s29], $0x4000  }
0x97: {  	[sflag:s29] =	ssyncset.done $0x0  }
0x98: {  	s30 =	sadd.s32 $0x1, s30;
	[sflag:s29] =	ssyncadd.s32 $0xFFFFC000  }
0x99: {  	[hbm4b:s13+s2] =	stream.linear.scatter [tilespmem:s26], [sflag:$0x4], $0x4000, $0x38;
	[tilespmem:$0x14400] =	vst v63  }
0x9a: {  	p0 =	sne.s32 s30, s6;
	_ =	swait.ge [sflag:s28], $0x4000  }
.Ltmp2:
0x9b: {  	[sflag:s28] =	ssyncset.done $0x0;
	(pc) =	sbr.rel @p0 .LBB2_1-.Ltmp2, $4  }
0x9c: {  	[sflag:s28] =	ssyncadd.s32 $0xFFFFC000  }
0x9d: {  	_ =	swait.ge [sflag:s29], $0x4000  }
0x9e: {  	[sflag:s29] =	ssyncset.done $0x0  }
0x9f: {  	[sflag:s29] =	ssyncadd.s32 $0xFFFFC000  }
0xa0: {  	_ =	sfence.sel $0x180000  }
0xa1: {  	[bflag:$0x0] =	sbarrier.arrive $0xFFFF  }
0xa2: {  	_ =	strace $0x90000047  }
0xa3: {  	s0 =	stileid.u32;
	[bflag:$0x2] =	sbarrier.arrive $0xFFFF  }
0xa4: {  	p0 =	sne.s32 s0, $0x0;
	s0 =	rddreg [dreg:$0x3]  }
0xa5: {  	s0 =	sadd.s32 @!p0 $0x100000, s0  }
0xa6: {  	[sflag:s0] =	ssyncadd.tile.s32 @!p0 $0x1;
	_ =	shalt  }
.Lfunc_end2:
_tile_overlayer_lowered:
.L_overlay_start_2:
0xa7: {  	(tag) =	ssettag $0x2  }
0xa8: {  	s0 =	rddreg [dreg:$0x0];
	s2 =	stileid.u32  }
0xa9: {  	s1 =	rddreg [dreg:$0x1];
	p0 =	sne.s32 s2, $0x0  }
0xaa: {  	s3 =	rddreg [dreg:$0x2];
	[bflag:$0x3] =	sbarrier.arrive $0xFFFF;
	s2 =	simm.s32 @!p0 $0x1C05  }
0xab: {  	[timem:s3], [sflag:s2] =	dma.local @!p0 [hbm:s0], s1  }
0xac: {  	s0 =	simm.s32 @!p0 $0x5  }
0xad: {  	_ =	swait.ge @!p0 [sflag:s0], s1  }
0xae: {  	s1 =	ssub.s32 @!p0 $0x0, s1;
	[sflag:s0] =	ssyncset.done @!p0 $0x0  }
0xaf: {  	[sflag:s0] =	ssyncadd.s32 @!p0 s1  }
0xb0: {  	[bflag:$0x3] =	sbarrier.arrive $0xFFFF  }
0xb1: {  	_ =	shalt  }

</sc_bundles>
